<compile_context>
chip_gen: v7x
topology: tpu7x:2x2x1
jax: 0.10.2.dev20260603
libtpu: 0.0.44.dev20260713+nightly
codegen_flags: <defaults>
</compile_context>

<pallas_src>
import functools
import math

import jax
import jax.numpy as jnp
from jax import lax
from jax.experimental import pallas as pl
from jax.experimental.pallas import tpu as pltpu
from jax.experimental.pallas import tpu_sc as plsc

_NUM_WORDS = 100000
_NUM_SAMPLES = 8192
_EMB_DIM = 128
_BATCH = 4096
_LOG_NW_P1 = math.log(_NUM_WORDS + 1)
_BB = 512
_CHUNK = 128
_SHIFT = 16.0
_LOG2E = 1.4426950408889634


def _sc_gather(W, b, sampled_ids, targets):
    D = W.shape[1]
    info = plsc.get_sparse_core_info()
    nw = info.num_cores * info.num_subcores
    s_per = _NUM_SAMPLES // nw
    t_per = _BATCH // nw
    mesh = plsc.VectorSubcoreMesh(core_axis_name="c", subcore_axis_name="s")

    @functools.partial(
        pl.kernel,
        mesh=mesh,
        out_type=[
            jax.ShapeDtypeStruct((_NUM_SAMPLES + _BATCH, D), jnp.float32),
            jax.ShapeDtypeStruct((_NUM_SAMPLES,), jnp.float32),
            jax.ShapeDtypeStruct((_BATCH,), jnp.float32),
        ],
        scratch_types=[
            pltpu.VMEM((s_per,), jnp.int32),
            pltpu.VMEM((t_per,), jnp.int32),
            pltpu.VMEM((s_per, D), jnp.float32),
            pltpu.VMEM((t_per, D), jnp.float32),
            pltpu.VMEM((s_per,), jnp.float32),
            pltpu.VMEM((t_per,), jnp.float32),
            pltpu.SemaphoreType.DMA,
            pltpu.SemaphoreType.DMA,
        ],
    )
    def gather_kernel(w_hbm, b_hbm, sid_hbm, tid_hbm,
                      rows_out, sbias_out, tbias_out,
                      sidx_v, tidx_v, srows_v, trows_v, sbias_v, tbias_v,
                      sem_r, sem_b):
        wid = lax.axis_index("s") * info.num_cores + lax.axis_index("c")
        s_base = wid * s_per
        t_base = wid * t_per
        pltpu.sync_copy(sid_hbm.at[pl.ds(s_base, s_per)], sidx_v)
        pltpu.sync_copy(tid_hbm.at[pl.ds(t_base, t_per)], tidx_v)
        copies = []
        for j in range(s_per // _CHUNK):
            sl = pl.ds(j * _CHUNK, _CHUNK)
            copies.append(
                pltpu.async_copy(w_hbm.at[sidx_v.at[sl]], srows_v.at[sl],
                                 sem_r))
            copies.append(
                pltpu.async_copy(b_hbm.at[sidx_v.at[sl]], sbias_v.at[sl],
                                 sem_b))
        copies.append(pltpu.async_copy(w_hbm.at[tidx_v], trows_v, sem_r))
        copies.append(pltpu.async_copy(b_hbm.at[tidx_v], tbias_v, sem_b))
        for c in copies:
            c.wait()
        pltpu.sync_copy(srows_v, rows_out.at[pl.ds(s_base, s_per)])
        pltpu.sync_copy(trows_v,
                        rows_out.at[pl.ds(_NUM_SAMPLES + t_base, t_per)])
        pltpu.sync_copy(sbias_v, sbias_out.at[pl.ds(s_base, s_per)])
        pltpu.sync_copy(tbias_v, tbias_out.at[pl.ds(t_base, t_per)])

    return gather_kernel(W, b, sampled_ids, targets)


def _tc_body(nt_ref, emb_ref, sw_ref, tw_ref, sb_ref, tb_ref,
             tid_ref, sid_ref, out_ref, corr_ref, swb_ref):
    i = pl.program_id(0)
    nt = nt_ref[0, 0]
    inv_log = 1.0 / _LOG_NW_P1

    @pl.when(i == 0)
    def _():
        swb_ref[...] = sw_ref[...].astype(jnp.bfloat16)
        sf0 = sid_ref[...].astype(jnp.float32)
        sp = jnp.log((sf0 + 2.0) / (sf0 + 1.0)) * inv_log
        s_exp = 1.0 - jnp.exp(nt * jnp.log1p(-sp))
        corr_ref[...] = (sb_ref[...] - jnp.log(s_exp + 1e-7)
                         - _SHIFT) * _LOG2E

    emb = emb_ref[...]
    embs = (emb * _LOG2E).astype(jnp.bfloat16)
    tid_row = tid_ref[...]
    tid_col = jnp.transpose(tid_row)

    ns_sl = _NUM_SAMPLES // 4
    s_col = None
    for k in range(4):
        sl = pl.ds(k * ns_sl, ns_sl)
        yk = lax.dot_general(
            embs, swb_ref[sl, :],
            (((1,), (1,)), ((), ())),
            preferred_element_type=jnp.float32)
        yk = yk + corr_ref[:, sl]
        yk = jnp.where(sid_ref[:, sl] == tid_col, -20000.0, yk)
        sk = jnp.sum(jnp.exp2(yk), axis=1, keepdims=True)
        s_col = sk if s_col is None else s_col + sk
    s_row = jnp.transpose(s_col)

    tdot_col = jnp.sum(tw_ref[...] * emb, axis=1, keepdims=True)
    tdot_row = jnp.transpose(tdot_col)

    tf = tid_row.astype(jnp.float32)
    tp = jnp.log((tf + 2.0) / (tf + 1.0)) * inv_log
    t_exp = 1.0 - jnp.exp(nt * jnp.log1p(-tp))
    tl = tdot_row + tb_ref[...] - jnp.log(t_exp + 1e-7)

    s_tot = s_row + jnp.exp2((tl - _SHIFT) * _LOG2E)
    part = jnp.sum(_SHIFT + jnp.log(s_tot) - tl)

    @pl.when(i == 0)
    def _():
        out_ref[0, 0] = part

    @pl.when(i != 0)
    def _():
        out_ref[0, 0] += part


def _fused_loss(nt, embeddings, rows, sbias, tbias, tid2, sid2):
    nb = _BATCH // _BB
    return pl.pallas_call(
        _tc_body,
        grid=(nb,),
        in_specs=[
            pl.BlockSpec(memory_space=pltpu.SMEM),
            pl.BlockSpec((_BB, _EMB_DIM), lambda i: (i, 0)),
            pl.BlockSpec((_NUM_SAMPLES, _EMB_DIM), lambda i: (0, 0)),
            pl.BlockSpec((_BB, _EMB_DIM),
                         lambda i: (_NUM_SAMPLES // _BB + i, 0)),
            pl.BlockSpec((1, _NUM_SAMPLES), lambda i: (0, 0)),
            pl.BlockSpec((1, _BB), lambda i: (0, i)),
            pl.BlockSpec((1, _BB), lambda i: (0, i)),
            pl.BlockSpec((1, _NUM_SAMPLES), lambda i: (0, 0)),
        ],
        out_specs=pl.BlockSpec(memory_space=pltpu.SMEM),
        out_shape=jax.ShapeDtypeStruct((1, 1), jnp.float32),
        scratch_shapes=[
            pltpu.VMEM((1, _NUM_SAMPLES), jnp.float32),
            pltpu.VMEM((_NUM_SAMPLES, _EMB_DIM), jnp.bfloat16),
        ],
        compiler_params=pltpu.CompilerParams(
            dimension_semantics=("arbitrary",)),
    )(nt, embeddings, rows, rows, sbias, tbias, tid2, sid2)


def kernel(embeddings, targets, W, b, sampled_ids, num_tries):
    rows, sbias, tbias = _sc_gather(W, b, sampled_ids, targets)
    sb = sbias.reshape(1, _NUM_SAMPLES)
    tb = tbias.reshape(1, _BATCH)
    tid2 = targets.reshape(1, _BATCH)
    sid2 = sampled_ids.reshape(1, _NUM_SAMPLES)
    nt = jnp.asarray(num_tries, jnp.float32).reshape(1, 1)
    loss = _fused_loss(nt, embeddings, rows, sb, tb, tid2, sid2)
    return loss[0, 0]

# --- scband reference (transcript-rebuilt; emitter-appended) ---
"""Pipeline reference for scband-sampled-softmax-layer-50139448213941 (READ-ONLY COPY).

The authoritative reference and input builder live on the scoring server;
editing this copy changes nothing except your own understanding.
"""

import jax, jax.numpy as jnp
import numpy as np

NUM_WORDS = 100000
NUM_SAMPLES = 8192
EMB_DIM = 128
BATCH = 4096
LOG_NW_P1 = float(np.log(NUM_WORDS + 1))


def _choice(num_words, num_samples):
    rng = np.random.RandomState(0)
    samples = set()
    order = []
    num_tries = 0
    done = False
    while not done:
        log_samples = rng.rand(num_samples) * np.log(num_words + 1)
        buf = np.clip(np.exp(log_samples).astype('int64') - 1, 0, num_words - 1)
        for s in buf:
            num_tries += 1
            si = int(s)
            if si not in samples:
                samples.add(si)
                order.append(si)
                if len(samples) == num_samples:
                    done = True
                    break
    return np.array(order, dtype=np.int64), num_tries


def setup_inputs(seed: int = 0) -> dict:
    key = jax.random.key(seed)
    k1, k2, k3 = jax.random.split(key, 3)
    embeddings = jax.random.normal(k1, (BATCH, EMB_DIM), dtype=jnp.float32)
    targets = jax.random.randint(k2, (BATCH,), 0, NUM_WORDS, dtype=jnp.int32)
    W = jax.random.normal(k3, (NUM_WORDS, EMB_DIM), dtype=jnp.float32) * (1.0 / np.sqrt(EMB_DIM))
    b = jnp.zeros((NUM_WORDS,), dtype=jnp.float32)
    sampled_ids_np, num_tries = _choice(NUM_WORDS, NUM_SAMPLES)
    sampled_ids = jnp.asarray(sampled_ids_np, dtype=jnp.int32)
    return {"embeddings": embeddings, "targets": targets, "W": W, "b": b,
            "sampled_ids": sampled_ids, "num_tries": int(num_tries)}


def reference(embeddings, targets, W, b, sampled_ids, num_tries):
    tf = targets.astype(jnp.float32)
    target_probs = jnp.log((tf + 2.0) / (tf + 1.0)) / LOG_NW_P1
    target_expected_count = -1.0 * (jnp.exp(num_tries * jnp.log1p(-target_probs)) - 1.0)
    sf = sampled_ids.astype(jnp.float32)
    sampled_probs = jnp.log((sf + 2.0) / (sf + 1.0)) / LOG_NW_P1
    sampled_expected_count = -1.0 * (jnp.exp(num_tries * jnp.log1p(-sampled_probs)) - 1.0)

    true_w = jnp.take(W, targets, axis=0)
    sampled_w = jnp.take(W, sampled_ids, axis=0)
    true_b = jnp.take(b, targets, axis=0)
    sampled_b = jnp.take(b, sampled_ids, axis=0)

    true_logits = jnp.sum(true_w * embeddings, axis=1) + true_b - jnp.log(target_expected_count + 1e-07)
    sampled_logits = jnp.matmul(embeddings, sampled_w.T) + sampled_b[None, :] - jnp.log(sampled_expected_count + 1e-07)[None, :]

    true_in_sample_mask = sampled_ids[None, :] == targets[:, None]
    masked_sampled_logits = jnp.where(true_in_sample_mask, -10000.0, sampled_logits)

    logits = jnp.concatenate([true_logits[:, None], masked_sampled_logits], axis=1)
    log_softmax = jax.nn.log_softmax(logits, axis=1)
    nll_loss = -1.0 * jnp.sum(log_softmax[:, 0])
    return nll_loss

if __name__ == "__main__":
    import jax
    _d = setup_inputs()
    print(jax.jit(kernel)(*tuple(_d.values())))

</pallas_src>

<mosaic_0001>
#map = affine_map<(d0, d1) -> (0, 0)>
#map1 = affine_map<(d0, d1) -> (0)>
module attributes {stable_mosaic.version = 14 : i64} {
  func.func @gather_kernel(%arg0: i32, %arg1: i32, %arg2: memref<100000x128xf32, #tpu.memory_space<hbm>>, %arg3: memref<100000xf32, #tpu.memory_space<hbm>>, %arg4: memref<8192xi32, #tpu.memory_space<hbm>>, %arg5: memref<4096xi32, #tpu.memory_space<hbm>>, %arg6: memref<12288x128xf32, #tpu.memory_space<hbm>>, %arg7: memref<8192xf32, #tpu.memory_space<hbm>>, %arg8: memref<4096xf32, #tpu.memory_space<hbm>>, %arg9: memref<256xi32, #tpu.memory_space<vmem>>, %arg10: memref<128xi32, #tpu.memory_space<vmem>>, %arg11: memref<256x128xf32, #tpu.memory_space<vmem>>, %arg12: memref<128x128xf32, #tpu.memory_space<vmem>>, %arg13: memref<256xf32, #tpu.memory_space<vmem>>, %arg14: memref<128xf32, #tpu.memory_space<vmem>>, %arg15: memref<!tpu.dma_semaphore, #tpu.memory_space<semaphore_mem>>, %arg16: memref<!tpu.dma_semaphore, #tpu.memory_space<semaphore_mem>>) attributes {dimension_semantics = [#tpu.dimension_semantics<core_parallel>, #tpu.dimension_semantics<subcore_parallel>], iteration_bounds = array<i64: 2, 16>, scalar_prefetch = 0 : i64, scratch_operands = 8 : i64, tpu.core_type = #tpu.core_type<sc_vector_subcore>, window_params = [{transform_indices = #map}, {transform_indices = #map1}, {transform_indices = #map1}, {transform_indices = #map1}, {transform_indices = #map}, {transform_indices = #map1}, {transform_indices = #map1}]} {
    %mul3A = arith.constant 2 : i32
    %mul3A_0 = arith.muli %arg1, %mul3A : i32
    %add3A = arith.addi %mul3A_0, %arg0 : i32
    %mul3A_1 = arith.constant 256 : i32
    %mul3A_2 = arith.muli %add3A, %mul3A_1 : i32
    %mul3A_3 = arith.constant 128 : i32
    %mul3A_4 = arith.muli %add3A, %mul3A_3 : i32
    "tpu.region"() ({
      %run_scoped3A = tpu.sem_alloc : memref<!tpu.dma_semaphore, #tpu.memory_space<semaphore_mem>>
      %dma_start3A_71 = tpu.memref_slice %arg4[%mul3A_2] : memref<8192xi32, #tpu.memory_space<hbm>> -> memref<256xi32, #tpu.memory_space<hbm>>
      %dma_start3A_72 = tpu.memref_slice %arg4[%mul3A_2] : memref<8192xi32, #tpu.memory_space<hbm>> -> memref<256xi32, #tpu.memory_space<hbm>>
      tpu.enqueue_dma source(%dma_start3A_72 : memref<256xi32, #tpu.memory_space<hbm>>) target(%arg9 : memref<256xi32, #tpu.memory_space<vmem>>) target_semaphore(%run_scoped3A : memref<!tpu.dma_semaphore, #tpu.memory_space<semaphore_mem>>)
      %dma_wait3A_73 = tpu.memref_slice %arg4[%mul3A_2] : memref<8192xi32, #tpu.memory_space<hbm>> -> memref<256xi32, #tpu.memory_space<hbm>>
      %dma_wait3A_74 = tpu.memref_slice %arg4[%mul3A_2] : memref<8192xi32, #tpu.memory_space<hbm>> -> memref<256xi32, #tpu.memory_space<hbm>>
      tpu.wait_dma2 semaphore(%run_scoped3A : memref<!tpu.dma_semaphore, #tpu.memory_space<semaphore_mem>>) src(%dma_wait3A_74 : memref<256xi32, #tpu.memory_space<hbm>>) dst(%arg9 : memref<256xi32, #tpu.memory_space<vmem>>)
      tpu.yield
    }) : () -> ()
    "tpu.region"() ({
      %run_scoped3A = tpu.sem_alloc : memref<!tpu.dma_semaphore, #tpu.memory_space<semaphore_mem>>
      %dma_start3A_71 = tpu.memref_slice %arg5[%mul3A_4] : memref<4096xi32, #tpu.memory_space<hbm>> -> memref<128xi32, #tpu.memory_space<hbm>>
      %dma_start3A_72 = tpu.memref_slice %arg5[%mul3A_4] : memref<4096xi32, #tpu.memory_space<hbm>> -> memref<128xi32, #tpu.memory_space<hbm>>
      tpu.enqueue_dma source(%dma_start3A_72 : memref<128xi32, #tpu.memory_space<hbm>>) target(%arg10 : memref<128xi32, #tpu.memory_space<vmem>>) target_semaphore(%run_scoped3A : memref<!tpu.dma_semaphore, #tpu.memory_space<semaphore_mem>>)
      %dma_wait3A_73 = tpu.memref_slice %arg5[%mul3A_4] : memref<4096xi32, #tpu.memory_space<hbm>> -> memref<128xi32, #tpu.memory_space<hbm>>
      %dma_wait3A_74 = tpu.memref_slice %arg5[%mul3A_4] : memref<4096xi32, #tpu.memory_space<hbm>> -> memref<128xi32, #tpu.memory_space<hbm>>
      tpu.wait_dma2 semaphore(%run_scoped3A : memref<!tpu.dma_semaphore, #tpu.memory_space<semaphore_mem>>) src(%dma_wait3A_74 : memref<128xi32, #tpu.memory_space<hbm>>) dst(%arg10 : memref<128xi32, #tpu.memory_space<vmem>>)
      tpu.yield
    }) : () -> ()
    %dma_start3A = arith.constant 0 : i32
    %dma_start3A_5 = arith.constant 0 : i32
    %dma_start3A_6 = tpu.memref_slice %arg11[%dma_start3A, %dma_start3A_5] : memref<256x128xf32, #tpu.memory_space<vmem>> -> memref<128x128xf32, #tpu.memory_space<vmem>>
    %dma_start3A_7 = arith.constant 0 : i32
    %dma_start3A_8 = tpu.memref_slice %arg9[%dma_start3A_7] : memref<256xi32, #tpu.memory_space<vmem>> -> memref<128xi32, #tpu.memory_space<vmem>>
    %dma_start3A_9 = arith.constant 0 : i32
    %dma_start3A_10 = arith.constant 0 : i32
    %dma_start3A_11 = tpu.memref_slice %arg2[%dma_start3A_9, %dma_start3A_10] : memref<100000x128xf32, #tpu.memory_space<hbm>> -> memref<100000x128xf32, #tpu.memory_space<hbm>>
    tpu.enqueue_indirect_dma source(%dma_start3A_11 : memref<100000x128xf32, #tpu.memory_space<hbm>>) target(%dma_start3A_6 : memref<128x128xf32, #tpu.memory_space<vmem>>) offsets(%dma_start3A_8 : memref<128xi32, #tpu.memory_space<vmem>>) semaphore(%arg15 : memref<!tpu.dma_semaphore, #tpu.memory_space<semaphore_mem>>)
    %dma_start3A_12 = arith.constant 0 : i32
    %dma_start3A_13 = tpu.memref_slice %arg13[%dma_start3A_12] : memref<256xf32, #tpu.memory_space<vmem>> -> memref<128xf32, #tpu.memory_space<vmem>>
    %dma_start3A_14 = arith.constant 0 : i32
    %dma_start3A_15 = tpu.memref_slice %arg9[%dma_start3A_14] : memref<256xi32, #tpu.memory_space<vmem>> -> memref<128xi32, #tpu.memory_space<vmem>>
    %dma_start3A_16 = arith.constant 0 : i32
    %dma_start3A_17 = tpu.memref_slice %arg3[%dma_start3A_16] : memref<100000xf32, #tpu.memory_space<hbm>> -> memref<100000xf32, #tpu.memory_space<hbm>>
    tpu.enqueue_indirect_dma source(%dma_start3A_17 : memref<100000xf32, #tpu.memory_space<hbm>>) target(%dma_start3A_13 : memref<128xf32, #tpu.memory_space<vmem>>) offsets(%dma_start3A_15 : memref<128xi32, #tpu.memory_space<vmem>>) semaphore(%arg16 : memref<!tpu.dma_semaphore, #tpu.memory_space<semaphore_mem>>)
    %dma_start3A_18 = arith.constant 128 : i32
    %dma_start3A_19 = arith.constant 0 : i32
    %dma_start3A_20 = tpu.memref_slice %arg11[%dma_start3A_18, %dma_start3A_19] : memref<256x128xf32, #tpu.memory_space<vmem>> -> memref<128x128xf32, #tpu.memory_space<vmem>>
    %dma_start3A_21 = arith.constant 128 : i32
    %dma_start3A_22 = tpu.memref_slice %arg9[%dma_start3A_21] : memref<256xi32, #tpu.memory_space<vmem>> -> memref<128xi32, #tpu.memory_space<vmem>>
    %dma_start3A_23 = arith.constant 0 : i32
    %dma_start3A_24 = arith.constant 0 : i32
    %dma_start3A_25 = tpu.memref_slice %arg2[%dma_start3A_23, %dma_start3A_24] : memref<100000x128xf32, #tpu.memory_space<hbm>> -> memref<100000x128xf32, #tpu.memory_space<hbm>>
    tpu.enqueue_indirect_dma source(%dma_start3A_25 : memref<100000x128xf32, #tpu.memory_space<hbm>>) target(%dma_start3A_20 : memref<128x128xf32, #tpu.memory_space<vmem>>) offsets(%dma_start3A_22 : memref<128xi32, #tpu.memory_space<vmem>>) semaphore(%arg15 : memref<!tpu.dma_semaphore, #tpu.memory_space<semaphore_mem>>)
    %dma_start3A_26 = arith.constant 128 : i32
    %dma_start3A_27 = tpu.memref_slice %arg13[%dma_start3A_26] : memref<256xf32, #tpu.memory_space<vmem>> -> memref<128xf32, #tpu.memory_space<vmem>>
    %dma_start3A_28 = arith.constant 128 : i32
    %dma_start3A_29 = tpu.memref_slice %arg9[%dma_start3A_28] : memref<256xi32, #tpu.memory_space<vmem>> -> memref<128xi32, #tpu.memory_space<vmem>>
    %dma_start3A_30 = arith.constant 0 : i32
    %dma_start3A_31 = tpu.memref_slice %arg3[%dma_start3A_30] : memref<100000xf32, #tpu.memory_space<hbm>> -> memref<100000xf32, #tpu.memory_space<hbm>>
    tpu.enqueue_indirect_dma source(%dma_start3A_31 : memref<100000xf32, #tpu.memory_space<hbm>>) target(%dma_start3A_27 : memref<128xf32, #tpu.memory_space<vmem>>) offsets(%dma_start3A_29 : memref<128xi32, #tpu.memory_space<vmem>>) semaphore(%arg16 : memref<!tpu.dma_semaphore, #tpu.memory_space<semaphore_mem>>)
    %dma_start3A_32 = arith.constant 0 : i32
    %dma_start3A_33 = arith.constant 0 : i32
    %dma_start3A_34 = tpu.memref_slice %arg2[%dma_start3A_32, %dma_start3A_33] : memref<100000x128xf32, #tpu.memory_space<hbm>> -> memref<100000x128xf32, #tpu.memory_space<hbm>>
    tpu.enqueue_indirect_dma source(%dma_start3A_34 : memref<100000x128xf32, #tpu.memory_space<hbm>>) target(%arg12 : memref<128x128xf32, #tpu.memory_space<vmem>>) offsets(%arg10 : memref<128xi32, #tpu.memory_space<vmem>>) semaphore(%arg15 : memref<!tpu.dma_semaphore, #tpu.memory_space<semaphore_mem>>)
    %dma_start3A_35 = arith.constant 0 : i32
    %dma_start3A_36 = tpu.memref_slice %arg3[%dma_start3A_35] : memref<100000xf32, #tpu.memory_space<hbm>> -> memref<100000xf32, #tpu.memory_space<hbm>>
    tpu.enqueue_indirect_dma source(%dma_start3A_36 : memref<100000xf32, #tpu.memory_space<hbm>>) target(%arg14 : memref<128xf32, #tpu.memory_space<vmem>>) offsets(%arg10 : memref<128xi32, #tpu.memory_space<vmem>>) semaphore(%arg16 : memref<!tpu.dma_semaphore, #tpu.memory_space<semaphore_mem>>)
    %dma_wait3A = arith.constant 0 : i32
    %dma_wait3A_37 = arith.constant 0 : i32
    %dma_wait3A_38 = tpu.memref_slice %arg11[%dma_wait3A, %dma_wait3A_37] : memref<256x128xf32, #tpu.memory_space<vmem>> -> memref<128x128xf32, #tpu.memory_space<vmem>>
    %dma_wait3A_39 = arith.constant 0 : i32
    %dma_wait3A_40 = tpu.memref_slice %arg9[%dma_wait3A_39] : memref<256xi32, #tpu.memory_space<vmem>> -> memref<128xi32, #tpu.memory_space<vmem>>
    %dma_wait3A_41 = arith.constant 0 : i32
    %dma_wait3A_42 = arith.constant 0 : i32
    %dma_wait3A_43 = tpu.memref_slice %arg2[%dma_wait3A_41, %dma_wait3A_42] : memref<100000x128xf32, #tpu.memory_space<hbm>> -> memref<100000x128xf32, #tpu.memory_space<hbm>>
    tpu.wait_indirect_dma semaphore(%arg15 : memref<!tpu.dma_semaphore, #tpu.memory_space<semaphore_mem>>) src(%dma_wait3A_43 : memref<100000x128xf32, #tpu.memory_space<hbm>>) dst(%dma_wait3A_38 : memref<128x128xf32, #tpu.memory_space<vmem>>)
    %dma_wait3A_44 = arith.constant 0 : i32
    %dma_wait3A_45 = tpu.memref_slice %arg13[%dma_wait3A_44] : memref<256xf32, #tpu.memory_space<vmem>> -> memref<128xf32, #tpu.memory_space<vmem>>
    %dma_wait3A_46 = arith.constant 0 : i32
    %dma_wait3A_47 = tpu.memref_slice %arg9[%dma_wait3A_46] : memref<256xi32, #tpu.memory_space<vmem>> -> memref<128xi32, #tpu.memory_space<vmem>>
    %dma_wait3A_48 = arith.constant 0 : i32
    %dma_wait3A_49 = tpu.memref_slice %arg3[%dma_wait3A_48] : memref<100000xf32, #tpu.memory_space<hbm>> -> memref<100000xf32, #tpu.memory_space<hbm>>
    tpu.wait_indirect_dma semaphore(%arg16 : memref<!tpu.dma_semaphore, #tpu.memory_space<semaphore_mem>>) src(%dma_wait3A_49 : memref<100000xf32, #tpu.memory_space<hbm>>) dst(%dma_wait3A_45 : memref<128xf32, #tpu.memory_space<vmem>>)
    %dma_wait3A_50 = arith.constant 128 : i32
    %dma_wait3A_51 = arith.constant 0 : i32
    %dma_wait3A_52 = tpu.memref_slice %arg11[%dma_wait3A_50, %dma_wait3A_51] : memref<256x128xf32, #tpu.memory_space<vmem>> -> memref<128x128xf32, #tpu.memory_space<vmem>>
    %dma_wait3A_53 = arith.constant 128 : i32
    %dma_wait3A_54 = tpu.memref_slice %arg9[%dma_wait3A_53] : memref<256xi32, #tpu.memory_space<vmem>> -> memref<128xi32, #tpu.memory_space<vmem>>
    %dma_wait3A_55 = arith.constant 0 : i32
    %dma_wait3A_56 = arith.constant 0 : i32
    %dma_wait3A_57 = tpu.memref_slice %arg2[%dma_wait3A_55, %dma_wait3A_56] : memref<100000x128xf32, #tpu.memory_space<hbm>> -> memref<100000x128xf32, #tpu.memory_space<hbm>>
    tpu.wait_indirect_dma semaphore(%arg15 : memref<!tpu.dma_semaphore, #tpu.memory_space<semaphore_mem>>) src(%dma_wait3A_57 : memref<100000x128xf32, #tpu.memory_space<hbm>>) dst(%dma_wait3A_52 : memref<128x128xf32, #tpu.memory_space<vmem>>)
    %dma_wait3A_58 = arith.constant 128 : i32
    %dma_wait3A_59 = tpu.memref_slice %arg13[%dma_wait3A_58] : memref<256xf32, #tpu.memory_space<vmem>> -> memref<128xf32, #tpu.memory_space<vmem>>
    %dma_wait3A_60 = arith.constant 128 : i32
    %dma_wait3A_61 = tpu.memref_slice %arg9[%dma_wait3A_60] : memref<256xi32, #tpu.memory_space<vmem>> -> memref<128xi32, #tpu.memory_space<vmem>>
    %dma_wait3A_62 = arith.constant 0 : i32
    %dma_wait3A_63 = tpu.memref_slice %arg3[%dma_wait3A_62] : memref<100000xf32, #tpu.memory_space<hbm>> -> memref<100000xf32, #tpu.memory_space<hbm>>
    tpu.wait_indirect_dma semaphore(%arg16 : memref<!tpu.dma_semaphore, #tpu.memory_space<semaphore_mem>>) src(%dma_wait3A_63 : memref<100000xf32, #tpu.memory_space<hbm>>) dst(%dma_wait3A_59 : memref<128xf32, #tpu.memory_space<vmem>>)
    %dma_wait3A_64 = arith.constant 0 : i32
    %dma_wait3A_65 = arith.constant 0 : i32
    %dma_wait3A_66 = tpu.memref_slice %arg2[%dma_wait3A_64, %dma_wait3A_65] : memref<100000x128xf32, #tpu.memory_space<hbm>> -> memref<100000x128xf32, #tpu.memory_space<hbm>>
    tpu.wait_indirect_dma semaphore(%arg15 : memref<!tpu.dma_semaphore, #tpu.memory_space<semaphore_mem>>) src(%dma_wait3A_66 : memref<100000x128xf32, #tpu.memory_space<hbm>>) dst(%arg12 : memref<128x128xf32, #tpu.memory_space<vmem>>)
    %dma_wait3A_67 = arith.constant 0 : i32
    %dma_wait3A_68 = tpu.memref_slice %arg3[%dma_wait3A_67] : memref<100000xf32, #tpu.memory_space<hbm>> -> memref<100000xf32, #tpu.memory_space<hbm>>
    tpu.wait_indirect_dma semaphore(%arg16 : memref<!tpu.dma_semaphore, #tpu.memory_space<semaphore_mem>>) src(%dma_wait3A_68 : memref<100000xf32, #tpu.memory_space<hbm>>) dst(%arg14 : memref<128xf32, #tpu.memory_space<vmem>>)
    "tpu.region"() ({
      %run_scoped3A = tpu.sem_alloc : memref<!tpu.dma_semaphore, #tpu.memory_space<semaphore_mem>>
      %dma_start3A_71 = arith.constant 0 : i32
      %dma_start3A_72 = tpu.memref_slice %arg6[%mul3A_2, %dma_start3A_71] : memref<12288x128xf32, #tpu.memory_space<hbm>> -> memref<256x128xf32, #tpu.memory_space<hbm>>
      %dma_start3A_73 = arith.constant 0 : i32
      %dma_start3A_74 = tpu.memref_slice %arg6[%mul3A_2, %dma_start3A_73] : memref<12288x128xf32, #tpu.memory_space<hbm>> -> memref<256x128xf32, #tpu.memory_space<hbm>>
      tpu.enqueue_dma source(%arg11 : memref<256x128xf32, #tpu.memory_space<vmem>>) target(%dma_start3A_74 : memref<256x128xf32, #tpu.memory_space<hbm>>) target_semaphore(%run_scoped3A : memref<!tpu.dma_semaphore, #tpu.memory_space<semaphore_mem>>)
      %dma_wait3A_75 = arith.constant 0 : i32
      %dma_wait3A_76 = tpu.memref_slice %arg6[%mul3A_2, %dma_wait3A_75] : memref<12288x128xf32, #tpu.memory_space<hbm>> -> memref<256x128xf32, #tpu.memory_space<hbm>>
      %dma_wait3A_77 = arith.constant 0 : i32
      %dma_wait3A_78 = tpu.memref_slice %arg6[%mul3A_2, %dma_wait3A_77] : memref<12288x128xf32, #tpu.memory_space<hbm>> -> memref<256x128xf32, #tpu.memory_space<hbm>>
      tpu.wait_dma2 semaphore(%run_scoped3A : memref<!tpu.dma_semaphore, #tpu.memory_space<semaphore_mem>>) src(%arg11 : memref<256x128xf32, #tpu.memory_space<vmem>>) dst(%dma_wait3A_78 : memref<256x128xf32, #tpu.memory_space<hbm>>)
      tpu.yield
    }) : () -> ()
    %add3A_69 = arith.constant 8192 : i32
    %add3A_70 = arith.addi %add3A_69, %mul3A_4 : i32
    "tpu.region"() ({
      %run_scoped3A = tpu.sem_alloc : memref<!tpu.dma_semaphore, #tpu.memory_space<semaphore_mem>>
      %dma_start3A_71 = arith.constant 0 : i32
      %dma_start3A_72 = tpu.memref_slice %arg6[%add3A_70, %dma_start3A_71] : memref<12288x128xf32, #tpu.memory_space<hbm>> -> memref<128x128xf32, #tpu.memory_space<hbm>>
      %dma_start3A_73 = arith.constant 0 : i32
      %dma_start3A_74 = tpu.memref_slice %arg6[%add3A_70, %dma_start3A_73] : memref<12288x128xf32, #tpu.memory_space<hbm>> -> memref<128x128xf32, #tpu.memory_space<hbm>>
      tpu.enqueue_dma source(%arg12 : memref<128x128xf32, #tpu.memory_space<vmem>>) target(%dma_start3A_74 : memref<128x128xf32, #tpu.memory_space<hbm>>) target_semaphore(%run_scoped3A : memref<!tpu.dma_semaphore, #tpu.memory_space<semaphore_mem>>)
      %dma_wait3A_75 = arith.constant 0 : i32
      %dma_wait3A_76 = tpu.memref_slice %arg6[%add3A_70, %dma_wait3A_75] : memref<12288x128xf32, #tpu.memory_space<hbm>> -> memref<128x128xf32, #tpu.memory_space<hbm>>
      %dma_wait3A_77 = arith.constant 0 : i32
      %dma_wait3A_78 = tpu.memref_slice %arg6[%add3A_70, %dma_wait3A_77] : memref<12288x128xf32, #tpu.memory_space<hbm>> -> memref<128x128xf32, #tpu.memory_space<hbm>>
      tpu.wait_dma2 semaphore(%run_scoped3A : memref<!tpu.dma_semaphore, #tpu.memory_space<semaphore_mem>>) src(%arg12 : memref<128x128xf32, #tpu.memory_space<vmem>>) dst(%dma_wait3A_78 : memref<128x128xf32, #tpu.memory_space<hbm>>)
      tpu.yield
    }) : () -> ()
    "tpu.region"() ({
      %run_scoped3A = tpu.sem_alloc : memref<!tpu.dma_semaphore, #tpu.memory_space<semaphore_mem>>
      %dma_start3A_71 = tpu.memref_slice %arg7[%mul3A_2] : memref<8192xf32, #tpu.memory_space<hbm>> -> memref<256xf32, #tpu.memory_space<hbm>>
      %dma_start3A_72 = tpu.memref_slice %arg7[%mul3A_2] : memref<8192xf32, #tpu.memory_space<hbm>> -> memref<256xf32, #tpu.memory_space<hbm>>
      tpu.enqueue_dma source(%arg13 : memref<256xf32, #tpu.memory_space<vmem>>) target(%dma_start3A_72 : memref<256xf32, #tpu.memory_space<hbm>>) target_semaphore(%run_scoped3A : memref<!tpu.dma_semaphore, #tpu.memory_space<semaphore_mem>>)
      %dma_wait3A_73 = tpu.memref_slice %arg7[%mul3A_2] : memref<8192xf32, #tpu.memory_space<hbm>> -> memref<256xf32, #tpu.memory_space<hbm>>
      %dma_wait3A_74 = tpu.memref_slice %arg7[%mul3A_2] : memref<8192xf32, #tpu.memory_space<hbm>> -> memref<256xf32, #tpu.memory_space<hbm>>
      tpu.wait_dma2 semaphore(%run_scoped3A : memref<!tpu.dma_semaphore, #tpu.memory_space<semaphore_mem>>) src(%arg13 : memref<256xf32, #tpu.memory_space<vmem>>) dst(%dma_wait3A_74 : memref<256xf32, #tpu.memory_space<hbm>>)
      tpu.yield
    }) : () -> ()
    "tpu.region"() ({
      %run_scoped3A = tpu.sem_alloc : memref<!tpu.dma_semaphore, #tpu.memory_space<semaphore_mem>>
      %dma_start3A_71 = tpu.memref_slice %arg8[%mul3A_4] : memref<4096xf32, #tpu.memory_space<hbm>> -> memref<128xf32, #tpu.memory_space<hbm>>
      %dma_start3A_72 = tpu.memref_slice %arg8[%mul3A_4] : memref<4096xf32, #tpu.memory_space<hbm>> -> memref<128xf32, #tpu.memory_space<hbm>>
      tpu.enqueue_dma source(%arg14 : memref<128xf32, #tpu.memory_space<vmem>>) target(%dma_start3A_72 : memref<128xf32, #tpu.memory_space<hbm>>) target_semaphore(%run_scoped3A : memref<!tpu.dma_semaphore, #tpu.memory_space<semaphore_mem>>)
      %dma_wait3A_73 = tpu.memref_slice %arg8[%mul3A_4] : memref<4096xf32, #tpu.memory_space<hbm>> -> memref<128xf32, #tpu.memory_space<hbm>>
      %dma_wait3A_74 = tpu.memref_slice %arg8[%mul3A_4] : memref<4096xf32, #tpu.memory_space<hbm>> -> memref<128xf32, #tpu.memory_space<hbm>>
      tpu.wait_dma2 semaphore(%run_scoped3A : memref<!tpu.dma_semaphore, #tpu.memory_space<semaphore_mem>>) src(%arg14 : memref<128xf32, #tpu.memory_space<vmem>>) dst(%dma_wait3A_74 : memref<128xf32, #tpu.memory_space<hbm>>)
      tpu.yield
    }) : () -> ()
    return
  }
}

module attributes {stable_mosaic.version = 14 : i64} {
  func.func @_tc_body(%arg0: i32, %arg1: memref<1x1xf32, #tpu.memory_space<smem>>, %arg2: memref<512x128xf32, #tpu.memory_space<vmem>>, %arg3: memref<8192x128xf32, #tpu.memory_space<vmem>>, %arg4: memref<512x128xf32, #tpu.memory_space<vmem>>, %arg5: memref<1x8192xf32, #tpu.memory_space<vmem>>, %arg6: memref<1x512xf32, #tpu.memory_space<vmem>>, %arg7: memref<1x512xi32, #tpu.memory_space<vmem>>, %arg8: memref<1x8192xi32, #tpu.memory_space<vmem>>, %arg9: memref<1x1xf32, #tpu.memory_space<smem>>, %arg10: memref<1x8192xf32, #tpu.memory_space<vmem>>, %arg11: memref<8192x128xbf16, #tpu.memory_space<vmem>>) attributes {dimension_semantics = [#tpu.dimension_semantics<arbitrary>], iteration_bounds = array<i64: 8>, scalar_prefetch = 0 : i64, scratch_operands = 2 : i64, tpu.core_type = #tpu.core_type<tc>, window_params = [{transform_indices = @transform_0, window_bounds = array<i64: 1, 1>}, {transform_indices = @transform_1, window_bounds = array<i64: 512, 128>}, {transform_indices = @transform_2, window_bounds = array<i64: 8192, 128>}, {transform_indices = @transform_3, window_bounds = array<i64: 512, 128>}, {pipeline_mode = #tpu.pipeline_mode<synchronous>, transform_indices = @transform_4, window_bounds = array<i64: 1, 8192>}, {transform_indices = @transform_5, window_bounds = array<i64: 1, 512>}, {transform_indices = @transform_6, window_bounds = array<i64: 1, 512>}, {pipeline_mode = #tpu.pipeline_mode<synchronous>, transform_indices = @transform_7, window_bounds = array<i64: 1, 8192>}, {transform_indices = @transform_8, window_bounds = array<i64: 1, 1>}]} {
    %get3A = arith.constant 0 : index
    %get3A_0 = arith.constant 0 : index
    %get3A_1 = memref.load %arg1[%get3A, %get3A_0] : memref<1x1xf32, #tpu.memory_space<smem>>
    %eq3A = arith.constant 0 : i32
    %eq3A_2 = arith.cmpi eq, %arg0, %eq3A : i32
    %convert_element_type3A = arith.extui %eq3A_2 : i1 to i32
    %cond3A = arith.constant 0 : i32
    %cond3A_3 = arith.cmpi ne, %convert_element_type3A, %cond3A : i32
    scf.if %cond3A_3 {
      %get3A_162 = arith.constant 0 : index
      %get3A_163 = arith.constant 0 : index
      %get3A_164 = vector.load %arg3[%get3A_162, %get3A_163] : memref<8192x128xf32, #tpu.memory_space<vmem>>, vector<8192x128xf32>
      %convert_element_type3A_165 = arith.truncf %get3A_164 : vector<8192x128xf32> to vector<8192x128xbf16>
      %swap3A = arith.constant 0 : index
      %swap3A_166 = arith.constant 0 : index
      %swap3A_167 = vector.load %arg11[%swap3A, %swap3A_166] : memref<8192x128xbf16, #tpu.memory_space<vmem>>, vector<8192x128xbf16>
      tpu.vector_store %arg11[%swap3A, %swap3A_166], %convert_element_type3A_165 {strides = array<i32>} : memref<8192x128xbf16, #tpu.memory_space<vmem>>, vector<8192x128xbf16>,
      %get3A_168 = arith.constant 0 : index
      %get3A_169 = arith.constant 0 : index
      %get3A_170 = vector.load %arg8[%get3A_168, %get3A_169] : memref<1x8192xi32, #tpu.memory_space<vmem>>, vector<1x8192xi32>
      %convert_element_type3A_171 = arith.sitofp %get3A_170 : vector<1x8192xi32> to vector<1x8192xf32>
      %add3A_172 = arith.constant 2.000000e+00 : f32
      %add3A_173 = vector.broadcast %add3A_172 : f32 to vector<1x8192xf32>
      %add3A_174 = arith.addf %convert_element_type3A_171, %add3A_173 : vector<1x8192xf32>
      %add3A_175 = arith.constant 1.000000e+00 : f32
      %add3A_176 = vector.broadcast %add3A_175 : f32 to vector<1x8192xf32>
      %add3A_177 = arith.addf %convert_element_type3A_171, %add3A_176 : vector<1x8192xf32>
      %div3A_178 = arith.divf %add3A_174, %add3A_177 : vector<1x8192xf32>
      %log3A_179 = math.log %div3A_178 : vector<1x8192xf32>
      %mul3A_180 = arith.constant 0.0868588239 : f32
      %mul3A_181 = vector.broadcast %mul3A_180 : f32 to vector<1x8192xf32>
      %mul3A_182 = arith.mulf %log3A_179, %mul3A_181 : vector<1x8192xf32>
      %neg3A_183 = arith.constant 0.000000e+00 : f32
      %neg3A_184 = vector.broadcast %neg3A_183 : f32 to vector<1x8192xf32>
      %neg3A_185 = arith.subf %neg3A_184, %mul3A_182 : vector<1x8192xf32>
      %log1p3A_186 = math.log1p %neg3A_185 : vector<1x8192xf32>
      %mul3A_187 = vector.broadcast %get3A_1 : f32 to vector<1x8192xf32>
      %mul3A_188 = arith.mulf %mul3A_187, %log1p3A_186 : vector<1x8192xf32>
      %exp3A_189 = math.exp %mul3A_188 : vector<1x8192xf32>
      %sub3A_190 = arith.constant 1.000000e+00 : f32
      %sub3A_191 = vector.broadcast %sub3A_190 : f32 to vector<1x8192xf32>
      %sub3A_192 = arith.subf %sub3A_191, %exp3A_189 : vector<1x8192xf32>
      %get3A_193 = arith.constant 0 : index
      %get3A_194 = arith.constant 0 : index
      %get3A_195 = vector.load %arg5[%get3A_193, %get3A_194] : memref<1x8192xf32, #tpu.memory_space<vmem>>, vector<1x8192xf32>
      %add3A_196 = arith.constant 1.000000e-07 : f32
      %add3A_197 = vector.broadcast %add3A_196 : f32 to vector<1x8192xf32>
      %add3A_198 = arith.addf %sub3A_192, %add3A_197 : vector<1x8192xf32>
      %log3A_199 = math.log %add3A_198 : vector<1x8192xf32>
      %sub3A_200 = arith.subf %get3A_195, %log3A_199 : vector<1x8192xf32>
      %sub3A_201 = arith.constant 1.600000e+01 : f32
      %sub3A_202 = vector.broadcast %sub3A_201 : f32 to vector<1x8192xf32>
      %sub3A_203 = arith.subf %sub3A_200, %sub3A_202 : vector<1x8192xf32>
      %mul3A_204 = arith.constant 1.44269502 : f32
      %mul3A_205 = vector.broadcast %mul3A_204 : f32 to vector<1x8192xf32>
      %mul3A_206 = arith.mulf %sub3A_203, %mul3A_205 : vector<1x8192xf32>
      %swap3A_207 = arith.constant 0 : index
      %swap3A_208 = arith.constant 0 : index
      %swap3A_209 = vector.load %arg10[%swap3A_207, %swap3A_208] : memref<1x8192xf32, #tpu.memory_space<vmem>>, vector<1x8192xf32>
      tpu.vector_store %arg10[%swap3A_207, %swap3A_208], %mul3A_206 {strides = array<i32>} : memref<1x8192xf32, #tpu.memory_space<vmem>>, vector<1x8192xf32>,
    } else {
    }
    %get3A_4 = arith.constant 0 : index
    %get3A_5 = arith.constant 0 : index
    %get3A_6 = vector.load %arg2[%get3A_4, %get3A_5] : memref<512x128xf32, #tpu.memory_space<vmem>>, vector<512x128xf32>
    %mul3A = arith.constant 1.44269502 : f32
    %mul3A_7 = vector.broadcast %mul3A : f32 to vector<512x128xf32>
    %mul3A_8 = arith.mulf %get3A_6, %mul3A_7 : vector<512x128xf32>
    %convert_element_type3A_9 = arith.truncf %mul3A_8 : vector<512x128xf32> to vector<512x128xbf16>
    %get3A_10 = arith.constant 0 : index
    %get3A_11 = arith.constant 0 : index
    %get3A_12 = vector.load %arg7[%get3A_10, %get3A_11] : memref<1x512xi32, #tpu.memory_space<vmem>>, vector<1x512xi32>
    %transpose3A = tpu.transpose %get3A_12, [1, 0] : vector<1x512xi32> -> vector<512x1xi32>
    %get3A_13 = arith.constant 0 : index
    %get3A_14 = arith.constant 0 : index
    %get3A_15 = vector.load %arg11[%get3A_13, %get3A_14] : memref<8192x128xbf16, #tpu.memory_space<vmem>>, vector<2048x128xbf16>
    %dot_general3A = arith.constant dense<0.000000e+00> : vector<512x2048xf32>
    %dot_general3A_16 = tpu.matmul %convert_element_type3A_9, %get3A_15, %dot_general3A {dimension_numbers = #tpu.dot_dimension_numbers<[1], [1], [0], [0], [0, 0, 1, 0], [], []>, transpose_lhs_hint = false} : vector<512x128xbf16>, vector<2048x128xbf16>, vector<512x2048xf32> -> vector<512x2048xf32>
    %get3A_17 = arith.constant 0 : index
    %get3A_18 = arith.constant 0 : index
    %get3A_19 = vector.load %arg10[%get3A_17, %get3A_18] : memref<1x8192xf32, #tpu.memory_space<vmem>>, vector<1x2048xf32>
    %add3A = vector.broadcast %get3A_19 : vector<1x2048xf32> to vector<512x2048xf32>
    %add3A_20 = arith.addf %dot_general3A_16, %add3A : vector<512x2048xf32>
    %get3A_21 = arith.constant 0 : index
    %get3A_22 = arith.constant 0 : index
    %get3A_23 = vector.load %arg8[%get3A_21, %get3A_22] : memref<1x8192xi32, #tpu.memory_space<vmem>>, vector<1x2048xi32>
    %eq3A_24 = vector.broadcast %get3A_23 : vector<1x2048xi32> to vector<512x2048xi32>
    %eq3A_25 = vector.broadcast %transpose3A : vector<512x1xi32> to vector<512x2048xi32>
    %eq3A_26 = arith.cmpi eq, %eq3A_24, %eq3A_25 : vector<512x2048xi32>
    %jit3A = arith.constant -2.000000e+04 : f32
    %broadcast_in_dim3A = vector.broadcast %jit3A : f32 to vector<512x2048xf32>
    %select_n3A = arith.select %eq3A_26, %broadcast_in_dim3A, %add3A_20 : vector<512x2048xi1>, vector<512x2048xf32>
    %exp23A = math.exp2 %select_n3A : vector<512x2048xf32>
    %reduce_sum3A = arith.constant dense<0.000000e+00> : vector<512xf32>
    %reduce_sum3A_27 = vector.multi_reduction <add>, %exp23A, %reduce_sum3A [1] : vector<512x2048xf32> to vector<512xf32>
    %broadcast_in_dim3A_28 = vector.shape_cast %reduce_sum3A_27 : vector<512xf32> to vector<512x1xf32>
    %get3A_29 = arith.constant 2048 : index
    %get3A_30 = arith.constant 0 : index
    %get3A_31 = vector.load %arg11[%get3A_29, %get3A_30] : memref<8192x128xbf16, #tpu.memory_space<vmem>>, vector<2048x128xbf16>
    %dot_general3A_32 = arith.constant dense<0.000000e+00> : vector<512x2048xf32>
    %dot_general3A_33 = tpu.matmul %convert_element_type3A_9, %get3A_31, %dot_general3A_32 {dimension_numbers = #tpu.dot_dimension_numbers<[1], [1], [0], [0], [0, 0, 1, 0], [], []>, transpose_lhs_hint = false} : vector<512x128xbf16>, vector<2048x128xbf16>, vector<512x2048xf32> -> vector<512x2048xf32>
    %get3A_34 = arith.constant 0 : index
    %get3A_35 = arith.constant 2048 : index
    %get3A_36 = vector.load %arg10[%get3A_34, %get3A_35] : memref<1x8192xf32, #tpu.memory_space<vmem>>, vector<1x2048xf32>
    %add3A_37 = vector.broadcast %get3A_36 : vector<1x2048xf32> to vector<512x2048xf32>
    %add3A_38 = arith.addf %dot_general3A_33, %add3A_37 : vector<512x2048xf32>
    %get3A_39 = arith.constant 0 : index
    %get3A_40 = arith.constant 2048 : index
    %get3A_41 = vector.load %arg8[%get3A_39, %get3A_40] : memref<1x8192xi32, #tpu.memory_space<vmem>>, vector<1x2048xi32>
    %eq3A_42 = vector.broadcast %get3A_41 : vector<1x2048xi32> to vector<512x2048xi32>
    %eq3A_43 = vector.broadcast %transpose3A : vector<512x1xi32> to vector<512x2048xi32>
    %eq3A_44 = arith.cmpi eq, %eq3A_42, %eq3A_43 : vector<512x2048xi32>
    %jit3A_45 = arith.constant -2.000000e+04 : f32
    %broadcast_in_dim3A_46 = vector.broadcast %jit3A_45 : f32 to vector<512x2048xf32>
    %select_n3A_47 = arith.select %eq3A_44, %broadcast_in_dim3A_46, %add3A_38 : vector<512x2048xi1>, vector<512x2048xf32>
    %exp23A_48 = math.exp2 %select_n3A_47 : vector<512x2048xf32>
    %reduce_sum3A_49 = arith.constant dense<0.000000e+00> : vector<512xf32>
    %reduce_sum3A_50 = vector.multi_reduction <add>, %exp23A_48, %reduce_sum3A_49 [1] : vector<512x2048xf32> to vector<512xf32>
    %broadcast_in_dim3A_51 = vector.shape_cast %reduce_sum3A_50 : vector<512xf32> to vector<512x1xf32>
    %add3A_52 = arith.addf %broadcast_in_dim3A_28, %broadcast_in_dim3A_51 : vector<512x1xf32>
    %get3A_53 = arith.constant 4096 : index
    %get3A_54 = arith.constant 0 : index
    %get3A_55 = vector.load %arg11[%get3A_53, %get3A_54] : memref<8192x128xbf16, #tpu.memory_space<vmem>>, vector<2048x128xbf16>
    %dot_general3A_56 = arith.constant dense<0.000000e+00> : vector<512x2048xf32>
    %dot_general3A_57 = tpu.matmul %convert_element_type3A_9, %get3A_55, %dot_general3A_56 {dimension_numbers = #tpu.dot_dimension_numbers<[1], [1], [0], [0], [0, 0, 1, 0], [], []>, transpose_lhs_hint = false} : vector<512x128xbf16>, vector<2048x128xbf16>, vector<512x2048xf32> -> vector<512x2048xf32>
    %get3A_58 = arith.constant 0 : index
    %get3A_59 = arith.constant 4096 : index
    %get3A_60 = vector.load %arg10[%get3A_58, %get3A_59] : memref<1x8192xf32, #tpu.memory_space<vmem>>, vector<1x2048xf32>
    %add3A_61 = vector.broadcast %get3A_60 : vector<1x2048xf32> to vector<512x2048xf32>
    %add3A_62 = arith.addf %dot_general3A_57, %add3A_61 : vector<512x2048xf32>
    %get3A_63 = arith.constant 0 : index
    %get3A_64 = arith.constant 4096 : index
    %get3A_65 = vector.load %arg8[%get3A_63, %get3A_64] : memref<1x8192xi32, #tpu.memory_space<vmem>>, vector<1x2048xi32>
    %eq3A_66 = vector.broadcast %get3A_65 : vector<1x2048xi32> to vector<512x2048xi32>
    %eq3A_67 = vector.broadcast %transpose3A : vector<512x1xi32> to vector<512x2048xi32>
    %eq3A_68 = arith.cmpi eq, %eq3A_66, %eq3A_67 : vector<512x2048xi32>
    %jit3A_69 = arith.constant -2.000000e+04 : f32
    %broadcast_in_dim3A_70 = vector.broadcast %jit3A_69 : f32 to vector<512x2048xf32>
    %select_n3A_71 = arith.select %eq3A_68, %broadcast_in_dim3A_70, %add3A_62 : vector<512x2048xi1>, vector<512x2048xf32>
    %exp23A_72 = math.exp2 %select_n3A_71 : vector<512x2048xf32>
    %reduce_sum3A_73 = arith.constant dense<0.000000e+00> : vector<512xf32>
    %reduce_sum3A_74 = vector.multi_reduction <add>, %exp23A_72, %reduce_sum3A_73 [1] : vector<512x2048xf32> to vector<512xf32>
    %broadcast_in_dim3A_75 = vector.shape_cast %reduce_sum3A_74 : vector<512xf32> to vector<512x1xf32>
    %add3A_76 = arith.addf %add3A_52, %broadcast_in_dim3A_75 : vector<512x1xf32>
    %get3A_77 = arith.constant 6144 : index
    %get3A_78 = arith.constant 0 : index
    %get3A_79 = vector.load %arg11[%get3A_77, %get3A_78] : memref<8192x128xbf16, #tpu.memory_space<vmem>>, vector<2048x128xbf16>
    %dot_general3A_80 = arith.constant dense<0.000000e+00> : vector<512x2048xf32>
    %dot_general3A_81 = tpu.matmul %convert_element_type3A_9, %get3A_79, %dot_general3A_80 {dimension_numbers = #tpu.dot_dimension_numbers<[1], [1], [0], [0], [0, 0, 1, 0], [], []>, transpose_lhs_hint = false} : vector<512x128xbf16>, vector<2048x128xbf16>, vector<512x2048xf32> -> vector<512x2048xf32>
    %get3A_82 = arith.constant 0 : index
    %get3A_83 = arith.constant 6144 : index
    %get3A_84 = vector.load %arg10[%get3A_82, %get3A_83] : memref<1x8192xf32, #tpu.memory_space<vmem>>, vector<1x2048xf32>
    %add3A_85 = vector.broadcast %get3A_84 : vector<1x2048xf32> to vector<512x2048xf32>
    %add3A_86 = arith.addf %dot_general3A_81, %add3A_85 : vector<512x2048xf32>
    %get3A_87 = arith.constant 0 : index
    %get3A_88 = arith.constant 6144 : index
    %get3A_89 = vector.load %arg8[%get3A_87, %get3A_88] : memref<1x8192xi32, #tpu.memory_space<vmem>>, vector<1x2048xi32>
    %eq3A_90 = vector.broadcast %get3A_89 : vector<1x2048xi32> to vector<512x2048xi32>
    %eq3A_91 = vector.broadcast %transpose3A : vector<512x1xi32> to vector<512x2048xi32>
    %eq3A_92 = arith.cmpi eq, %eq3A_90, %eq3A_91 : vector<512x2048xi32>
    %jit3A_93 = arith.constant -2.000000e+04 : f32
    %broadcast_in_dim3A_94 = vector.broadcast %jit3A_93 : f32 to vector<512x2048xf32>
    %select_n3A_95 = arith.select %eq3A_92, %broadcast_in_dim3A_94, %add3A_86 : vector<512x2048xi1>, vector<512x2048xf32>
    %exp23A_96 = math.exp2 %select_n3A_95 : vector<512x2048xf32>
    %reduce_sum3A_97 = arith.constant dense<0.000000e+00> : vector<512xf32>
    %reduce_sum3A_98 = vector.multi_reduction <add>, %exp23A_96, %reduce_sum3A_97 [1] : vector<512x2048xf32> to vector<512xf32>
    %broadcast_in_dim3A_99 = vector.shape_cast %reduce_sum3A_98 : vector<512xf32> to vector<512x1xf32>
    %add3A_100 = arith.addf %add3A_76, %broadcast_in_dim3A_99 : vector<512x1xf32>
    %transpose3A_101 = tpu.transpose %add3A_100, [1, 0] : vector<512x1xf32> -> vector<1x512xf32>
    %get3A_102 = arith.constant 0 : index
    %get3A_103 = arith.constant 0 : index
    %get3A_104 = vector.load %arg4[%get3A_102, %get3A_103] : memref<512x128xf32, #tpu.memory_space<vmem>>, vector<512x128xf32>
    %mul3A_105 = arith.mulf %get3A_104, %get3A_6 : vector<512x128xf32>
    %reduce_sum3A_106 = arith.constant dense<0.000000e+00> : vector<512xf32>
    %reduce_sum3A_107 = vector.multi_reduction <add>, %mul3A_105, %reduce_sum3A_106 [1] : vector<512x128xf32> to vector<512xf32>
    %broadcast_in_dim3A_108 = vector.shape_cast %reduce_sum3A_107 : vector<512xf32> to vector<512x1xf32>
    %transpose3A_109 = tpu.transpose %broadcast_in_dim3A_108, [1, 0] : vector<512x1xf32> -> vector<1x512xf32>
    %convert_element_type3A_110 = arith.sitofp %get3A_12 : vector<1x512xi32> to vector<1x512xf32>
    %add3A_111 = arith.constant 2.000000e+00 : f32
    %add3A_112 = vector.broadcast %add3A_111 : f32 to vector<1x512xf32>
    %add3A_113 = arith.addf %convert_element_type3A_110, %add3A_112 : vector<1x512xf32>
    %add3A_114 = arith.constant 1.000000e+00 : f32
    %add3A_115 = vector.broadcast %add3A_114 : f32 to vector<1x512xf32>
    %add3A_116 = arith.addf %convert_element_type3A_110, %add3A_115 : vector<1x512xf32>
    %div3A = arith.divf %add3A_113, %add3A_116 : vector<1x512xf32>
    %log3A = math.log %div3A : vector<1x512xf32>
    %mul3A_117 = arith.constant 0.0868588239 : f32
    %mul3A_118 = vector.broadcast %mul3A_117 : f32 to vector<1x512xf32>
    %mul3A_119 = arith.mulf %log3A, %mul3A_118 : vector<1x512xf32>
    %neg3A = arith.constant 0.000000e+00 : f32
    %neg3A_120 = vector.broadcast %neg3A : f32 to vector<1x512xf32>
    %neg3A_121 = arith.subf %neg3A_120, %mul3A_119 : vector<1x512xf32>
    %log1p3A = math.log1p %neg3A_121 : vector<1x512xf32>
    %mul3A_122 = vector.broadcast %get3A_1 : f32 to vector<1x512xf32>
    %mul3A_123 = arith.mulf %mul3A_122, %log1p3A : vector<1x512xf32>
    %exp3A = math.exp %mul3A_123 : vector<1x512xf32>
    %sub3A = arith.constant 1.000000e+00 : f32
    %sub3A_124 = vector.broadcast %sub3A : f32 to vector<1x512xf32>
    %sub3A_125 = arith.subf %sub3A_124, %exp3A : vector<1x512xf32>
    %get3A_126 = arith.constant 0 : index
    %get3A_127 = arith.constant 0 : index
    %get3A_128 = vector.load %arg6[%get3A_126, %get3A_127] : memref<1x512xf32, #tpu.memory_space<vmem>>, vector<1x512xf32>
    %add3A_129 = arith.addf %transpose3A_109, %get3A_128 : vector<1x512xf32>
    %add3A_130 = arith.constant 1.000000e-07 : f32
    %add3A_131 = vector.broadcast %add3A_130 : f32 to vector<1x512xf32>
    %add3A_132 = arith.addf %sub3A_125, %add3A_131 : vector<1x512xf32>
    %log3A_133 = math.log %add3A_132 : vector<1x512xf32>
    %sub3A_134 = arith.subf %add3A_129, %log3A_133 : vector<1x512xf32>
    %sub3A_135 = arith.constant 1.600000e+01 : f32
    %sub3A_136 = vector.broadcast %sub3A_135 : f32 to vector<1x512xf32>
    %sub3A_137 = arith.subf %sub3A_134, %sub3A_136 : vector<1x512xf32>
    %mul3A_138 = arith.constant 1.44269502 : f32
    %mul3A_139 = vector.broadcast %mul3A_138 : f32 to vector<1x512xf32>
    %mul3A_140 = arith.mulf %sub3A_137, %mul3A_139 : vector<1x512xf32>
    %exp23A_141 = math.exp2 %mul3A_140 : vector<1x512xf32>
    %add3A_142 = arith.addf %transpose3A_101, %exp23A_141 : vector<1x512xf32>
    %log3A_143 = math.log %add3A_142 : vector<1x512xf32>
    %add3A_144 = arith.constant 1.600000e+01 : f32
    %add3A_145 = vector.broadcast %add3A_144 : f32 to vector<1x512xf32>
    %add3A_146 = arith.addf %add3A_145, %log3A_143 : vector<1x512xf32>
    %sub3A_147 = arith.subf %add3A_146, %sub3A_134 : vector<1x512xf32>
    %reduce_sum3A_148 = vector.shape_cast %sub3A_147 : vector<1x512xf32> to vector<1x1x512xf32>
    %reduce_sum3A_149 = arith.constant dense<0.000000e+00> : vector<1xf32>
    %reduce_sum3A_150 = vector.multi_reduction <add>, %reduce_sum3A_148, %reduce_sum3A_149 [1, 2] : vector<1x1x512xf32> to vector<1xf32>
    %reduce_sum3A_151 = vector.shape_cast %reduce_sum3A_150 : vector<1xf32> to vector<1x1x1xf32>
    %reduce_sum3A_152 = vector.extract %reduce_sum3A_151[0, 0, 0] : f32 from vector<1x1x1xf32>
    %eq3A_153 = arith.constant 0 : i32
    %eq3A_154 = arith.cmpi eq, %arg0, %eq3A_153 : i32
    %convert_element_type3A_155 = arith.extui %eq3A_154 : i1 to i32
    %cond3A_156 = arith.constant 0 : i32
    %cond3A_157 = arith.cmpi ne, %convert_element_type3A_155, %cond3A_156 : i32
    scf.if %cond3A_157 {
      %swap3A = arith.constant 0 : index
      %swap3A_162 = arith.constant 0 : index
      %swap3A_163 = memref.load %arg9[%swap3A, %swap3A_162] : memref<1x1xf32, #tpu.memory_space<smem>>
      memref.store %reduce_sum3A_152, %arg9[%swap3A, %swap3A_162] : memref<1x1xf32, #tpu.memory_space<smem>>
    } else {
    }
    %ne3A = arith.constant 0 : i32
    %ne3A_158 = arith.cmpi ne, %arg0, %ne3A : i32
    %convert_element_type3A_159 = arith.extui %ne3A_158 : i1 to i32
    %cond3A_160 = arith.constant 0 : i32
    %cond3A_161 = arith.cmpi ne, %convert_element_type3A_159, %cond3A_160 : i32
    scf.if %cond3A_161 {
      %get3A_162 = arith.constant 0 : index
      %get3A_163 = arith.constant 0 : index
      %get3A_164 = memref.load %arg9[%get3A_162, %get3A_163] : memref<1x1xf32, #tpu.memory_space<smem>>
      %add3A_165 = arith.addf %get3A_164, %reduce_sum3A_152 : f32
      %swap3A = arith.constant 0 : index
      %swap3A_166 = arith.constant 0 : index
      %swap3A_167 = memref.load %arg9[%swap3A, %swap3A_166] : memref<1x1xf32, #tpu.memory_space<smem>>
      memref.store %add3A_165, %arg9[%swap3A, %swap3A_166] : memref<1x1xf32, #tpu.memory_space<smem>>
    } else {
    }
    return
  }
  func.func @transform_0(%arg0: i32) -> (i32, i32) {
    %c0_i32 = arith.constant 0 : i32
    %c0_i32_0 = arith.constant 0 : i32
    %c0_i32_1 = arith.constant 0 : i32
    return %c0_i32, %c0_i32_0 : i32, i32
  }
  func.func @transform_1(%arg0: i32) -> (i32, i32) {
    %c0_i32 = arith.constant 0 : i32
    %c0_i32_0 = arith.constant 0 : i32
    return %arg0, %c0_i32 : i32, i32
  }
  func.func @transform_2(%arg0: i32) -> (i32, i32) {
    %c0_i32 = arith.constant 0 : i32
    %c0_i32_0 = arith.constant 0 : i32
    %c0_i32_1 = arith.constant 0 : i32
    return %c0_i32, %c0_i32_0 : i32, i32
  }
  func.func @transform_3(%arg0: i32) -> (i32, i32) {
    %add3A = arith.constant 16 : i32
    %add3A_0 = arith.addi %add3A, %arg0 : i32
    %c0_i32 = arith.constant 0 : i32
    %c0_i32_1 = arith.constant 0 : i32
    return %add3A_0, %c0_i32 : i32, i32
  }
  func.func @transform_4(%arg0: i32) -> (i32, i32) {
    %c0_i32 = arith.constant 0 : i32
    %c0_i32_0 = arith.constant 0 : i32
    %c0_i32_1 = arith.constant 0 : i32
    return %c0_i32, %c0_i32_0 : i32, i32
  }
  func.func @transform_5(%arg0: i32) -> (i32, i32) {
    %c0_i32 = arith.constant 0 : i32
    %c0_i32_0 = arith.constant 0 : i32
    return %c0_i32, %arg0 : i32, i32
  }
  func.func @transform_6(%arg0: i32) -> (i32, i32) {
    %c0_i32 = arith.constant 0 : i32
    %c0_i32_0 = arith.constant 0 : i32
    return %c0_i32, %arg0 : i32, i32
  }
  func.func @transform_7(%arg0: i32) -> (i32, i32) {
    %c0_i32 = arith.constant 0 : i32
    %c0_i32_0 = arith.constant 0 : i32
    %c0_i32_1 = arith.constant 0 : i32
    return %c0_i32, %c0_i32_0 : i32, i32
  }
  func.func @transform_8(%arg0: i32) -> (i32, i32) {
    %c0_i32 = arith.constant 0 : i32
    %c0_i32_0 = arith.constant 0 : i32
    %c0_i32_1 = arith.constant 0 : i32
    return %c0_i32, %c0_i32_0 : i32, i32
  }
}

</mosaic_0001>

<sc_bundles>
// kernel: kernel.4.cloned.1.call-start
scs
__scs_entry_jumppad:
0x0: {  	(pc) =	sbr.rel $0x88, $3  }
0x1: {  	(tag) =	ssettag $0x0;
	lr =	simm.s32 $0x1  }
0x2: {  	[smem:$0x3F9B] =	sst lr;
	_ =	strace $0xD0000000  }
0x3: {  	_ = 	snop  }
0x4: {  	_ = 	snop  }
0x5: {  	_ = 	snop  }
0x6: {  	_ = 	snop  }
0x7: {  	_ = 	snop  }
__scs_overlays_trampoline_lowered:
0x8: {  	[smem:$0x3FAA] =	sst s0  }
0x9: {  	[smem:$0x3FAB] =	sst s1  }
0xa: {  	[smem:$0x3FAC] =	sst s2  }
0xb: {  	[smem:$0x3FAD] =	sst s3  }
0xc: {  	[smem:$0x3FAE] =	sst s4  }
0xd: {  	[smem:$0x3FAF] =	sst s5  }
0xe: {  	[smem:$0x3FB0] =	sst s6  }
0xf: {  	[smem:$0x3FB1] =	sst s7  }
0x10: {  	[smem:$0x3FB2] =	sst s8  }
0x11: {  	[smem:$0x3FB3] =	sst s9;
	s0 =	simm.s32 @!p0 $0x0  }
0x12: {  	s1 =	sld [smem:$0x3F99];
	s0 =	simm.s32 @p0 $0x1  }
0x13: {  	[smem:$0x3FB4] =	sst s0;
	s0 =	simm.s32 @!p1 $0x0  }
0x14: {  	s2 =	sld [smem:$0x3F98];
	s0 =	simm.s32 @p1 $0x1  }
0x15: {  	[smem:$0x3FB5] =	sst s0;
	s0 =	simm.s32 @!p2 $0x0  }
0x16: {  	s3 =	sld [smem:$0x3FDB];
	s0 =	simm.s32 @p2 $0x1  }
0x17: {  	s4 =	simm.s32 $0x1BF5;
	[smem:$0x3FB7] =	sst s0  }
0x18: {  	s0 =	sld [smem:$0x3F9A];
	_ =	swait.ge [sflag:s4], $0x0  }
0x19: {  	s7 =	sld [smem:$0x3F9B]  }
0x1a: {  	s8 =	sadd.s32 $0xFFFFE003, lr  }
0x1b: {  	s9 =	sadd.s32 $0xFFFFFEF7, lr;
	s5 =	simm.s32 $0xFFFFFFFF;
	p2 =	slt.u32 s8, $0xFFFFF086  }
0x1c: {  	p1 =	slt.u32 s9, $0xF7A;
	s5 =	simm.s32 @!p2 $0x0  }
0x1d: {  	s5 =	simm.s32 @p1 $0x1;
	p0 =	seq.s32 s7, s2  }
0x1e: {  	s7 =	smul.u32 @!p0 $0xF7A, s2;
	p2 =	seq.s32 @!p0 s5, $0x0  }
0x1f: {  	s9 =	smul.u32 $0xF7A, s1;
	s8 =	simm.s32 @!p0 $0x1BF5;
	p2 =	por !p2, p0  }
0x20: {  	[sflag:s8] =	ssyncset.s32 @!p0 $0xFFFFF086;
	s6 =	sadd.s32 @!p0 s3, s7;
	s7 =	simm.s32 @!p0 $0x108  }
0x21: {  	s3 =	sadd.s32 s3, s9;
	s6 =	sadd.s32 @!p0 $0x88, s6;
	s7 =	simm.s32 @p2 $0x1082  }
0x22: {  	[simem:s7], [sflag:s8] =	dma.local @!p0 [hbm:s6], $0xF7A  }
0x23: {  	s9 =	sor.u32 $0xD0000000, s2;
	s6 =	simm.s32 $0x108;
	_ =	swait.ge @!p0 [sflag:s8], $0x0  }
0x24: {  	s3 =	sadd.s32 $0x88, s3;
	s6 =	simm.s32 @!p1 $0x1082;
	[sflag:s4] =	ssyncset.s32 $0xFFFFF086  }
0x25: {  	[simem:s6], [sflag:s4] =	dma.local [hbm:s3], $0xF7A  }
0x26: {  	[smem:$0x3F9B] =	sst s1;
	(tag) =	ssettag s2;
	_ =	strace s9  }
0x27: {  	s1 =	sld [smem:$0x3FAB]  }
0x28: {  	s2 =	sld [smem:$0x3FAC]  }
0x29: {  	s4 =	sld [smem:$0x3FAE]  }
0x2a: {  	p0 =	seq.s32 s5, $0x0;
	s5 =	sld [smem:$0x3FAF]  }
0x2b: {  	s6 =	sld [smem:$0x3FB0]  }
0x2c: {  	s7 =	sld [smem:$0x3FB1]  }
0x2d: {  	s3 =	simm.s32 $0x108;
	s8 =	sld [smem:$0x3FB2]  }
0x2e: {  	s3 =	simm.s32 @!p0 $0x1082;
	s9 =	sld [smem:$0x3FB3]  }
0x2f: {  	lr =	sadd.s32 s0, s3;
	s0 =	sld [smem:$0x3FAA]  }
0x30: {  	s3 =	sld [smem:$0x3FAD]  }
0x31: {  	[smem:$0x3FB6] =	sst s10  }
0x32: {  	s10 =	sld [smem:$0x3FB4];
	_ =	sdelay $0x3  }
0x33: {  	p0 =	seq.s32 s10, $0x1;
	s10 =	sld [smem:$0x3FB6];
	_ =	sdelay $0x3  }
0x34: {  	[smem:$0x3FB6] =	sst s10  }
0x35: {  	s10 =	sld [smem:$0x3FB5];
	_ =	sdelay $0x3  }
0x36: {  	p1 =	seq.s32 s10, $0x1;
	s10 =	sld [smem:$0x3FB6];
	_ =	sdelay $0x3  }
0x37: {  	[smem:$0x3FB6] =	sst s10  }
0x38: {  	s10 =	sld [smem:$0x3FB7]  }
0x39: {  	_ = 	snop;
	(pc) =	sbr.ind lr, $3  }
0x3a: {  	_ = 	snop  }
0x3b: {  	_ = 	snop  }
0x3c: {  	p2 =	seq.s32 s10, $0x1;
	s10 =	sld [smem:$0x3FB6]  }
0x3d: {  	_ =	shalt  }
0x3e: {  	_ =	shalt  }
0x3f: {  	_ =	shalt  }
0x40: {  	_ =	shalt  }
0x41: {  	_ =	shalt  }
0x42: {  	_ =	shalt  }
0x43: {  	_ =	shalt  }
0x44: {  	_ =	shalt  }
0x45: {  	_ =	shalt  }
0x46: {  	_ =	shalt  }
0x47: {  	_ =	shalt  }
0x48: {  	_ =	shalt  }
0x49: {  	_ =	shalt  }
0x4a: {  	_ =	shalt  }
0x4b: {  	_ =	shalt  }
0x4c: {  	_ =	shalt  }
0x4d: {  	_ =	shalt  }
0x4e: {  	_ =	shalt  }
0x4f: {  	_ =	shalt  }
0x50: {  	_ =	shalt  }
0x51: {  	_ =	shalt  }
0x52: {  	_ =	shalt  }
0x53: {  	_ =	shalt  }
0x54: {  	_ =	shalt  }
0x55: {  	_ =	shalt  }
0x56: {  	_ =	shalt  }
0x57: {  	_ =	shalt  }
0x58: {  	_ =	shalt  }
0x59: {  	_ =	shalt  }
0x5a: {  	_ =	shalt  }
0x5b: {  	_ =	shalt  }
0x5c: {  	_ =	shalt  }
0x5d: {  	_ =	shalt  }
0x5e: {  	_ =	shalt  }
0x5f: {  	_ =	shalt  }
0x60: {  	_ =	shalt  }
0x61: {  	_ =	shalt  }
0x62: {  	_ =	shalt  }
0x63: {  	_ =	shalt  }
0x64: {  	_ =	shalt  }
0x65: {  	_ =	shalt  }
0x66: {  	_ =	shalt  }
0x67: {  	_ =	shalt  }
0x68: {  	_ =	shalt  }
0x69: {  	_ =	shalt  }
0x6a: {  	_ =	shalt  }
0x6b: {  	_ =	shalt  }
0x6c: {  	_ =	shalt  }
0x6d: {  	_ =	shalt  }
0x6e: {  	_ =	shalt  }
0x6f: {  	_ =	shalt  }
0x70: {  	_ =	shalt  }
0x71: {  	_ =	shalt  }
0x72: {  	_ =	shalt  }
0x73: {  	_ =	shalt  }
0x74: {  	_ =	shalt  }
0x75: {  	_ =	shalt  }
0x76: {  	_ =	shalt  }
0x77: {  	_ =	shalt  }
0x78: {  	_ =	shalt  }
0x79: {  	_ =	shalt  }
0x7a: {  	_ =	shalt  }
0x7b: {  	_ =	shalt  }
0x7c: {  	_ =	shalt  }
0x7d: {  	_ =	shalt  }
0x7e: {  	_ =	shalt  }
0x7f: {  	_ =	shalt  }
0x80: {  	_ =	shalt  }
0x81: {  	_ =	shalt  }
0x82: {  	_ =	shalt  }
0x83: {  	_ =	shalt  }
0x84: {  	_ =	shalt  }
0x85: {  	_ =	shalt  }
0x86: {  	_ =	shalt  }
0x87: {  	_ =	shalt  }
.Lfunc_end0:
.L_simem_size_0:
called_computation_lowered:
.L_overlay_start_0:
0x88: {  	s2 =	sld [smem:$0x3FD9]  }
0x89: {  	s3 =	sld [smem:$0x3FFE];
	_ =	sdelay $0x1  }
0x8a: {  	s1 =	srdreg.scid  }
0x8b: {  	s0 =	sand.u32 $0x1, s1  }
0x8c: {  	s17 =	sshll.u32 s0, $0xA;
	s2 =	sadd.s32 s3, s2  }
0x8d: {  	s2 =	sadd.s32 s2, s17  }
0x8e: {  	[smem:$0x3FC2] =	sst s2  }
0x8f: {  	_ = 	snop  }
0x90: {  	s2 =	sld [smem:$0x3FC8]  }
0x91: {  	s18 =	sld [smem:$0x3FC7]  }
0x92: {  	s4 =	sld [smem:$0x3FC6]  }
0x93: {  	s5 =	sld [smem:$0x3FC5];
	(tm) =	ssettm $0x1  }
0x94: {  	s6 =	sld [smem:$0x3FFB];
	_ =	sdelay $0x3  }
0x95: {  	_ =	strace s6  }
0x96: {  	s6 =	sld [smem:$0x3FFC];
	_ =	sdelay $0x3  }
0x97: {  	_ =	strace s6  }
0x98: {  	s6 =	sld [smem:$0x3FFD];
	_ =	sdelay $0x3  }
0x99: {  	_ =	strace s6  }
0x9a: {  	_ =	strace $0x8FFFFFFF  }
0x9b: {  	s19 =	sld [smem:$0x3FDB];
	_ =	sdelay $0x1  }
0x9c: {  	s7 =	simm.s32 $_scs_section_size  }
0x9d: {  	s8 =	simm.s32 $_size__tile_overlayer_lowered;
	s9 =	simm.s32 $_tile_overlayer_lowered  }
0x9e: {  	s22 =	simm.s32 $0x1BFF;
	s21 =	sshll.u32 s9, $0x1;
	s6 =	sadd.s32 s7, s19  }
0x9f: {  	s10 =	simm.s32 $0x0;
	s20 =	sshll.u32 s8, $0x1;
	s8 =	sadd.s32 s21, s6  }
0xa0: {  	[timem:s10], [sflag:s22] =	dma.local [hbm:s8], s20  }
0xa1: {  	_ =	swait.ge [sflag:s22], s20  }
0xa2: {  	s7 =	ssub.s32 $0x0, s20;
	[sflag:s22] =	ssyncset.done $0x0  }
0xa3: {  	[sflag:s22] =	ssyncadd.s32 s7;
	_ =	sdelay $0x1  }
0xa4: {  	s23 =	simm.s32 $0x1B8B  }
0xa5: {  	_ =	swait.ge [sflag:s23], $0x1  }
0xa6: {  	[sflag:s23] =	ssyncset.done $0x0  }
0xa7: {  	s25 =	simm.s32 $0x1B8E;
	s24 =	sld [smem:$0x3FFE];
	[sflag:s23] =	ssyncadd.s32 $0xFFFFFFFF  }
0xa8: {  	s26 =	simm.s32 $execute0_lowered;
	[smem:$0x3FD2] =	sst s25  }
0xa9: {  	s8 =	sshll.u32 s26, $0x1;
	_ =	strace $0x80000046;
	[dreg:$0x1] =	wrdreg $0xFFFFFFFF  }
0xaa: {  	s28 =	simm.s32 $_size_execute0_lowered;
	s6 =	sadd.s32 s6, s8;
	[dreg:$0x0] =	wrdreg $0x0  }
0xab: {  	s8 =	sshll.u32 s28, $0x1;
	[dreg:$0x2] =	wrdreg s6  }
0xac: {  	[dreg:$0x3] =	wrdreg s8  }
0xad: {  	[dreg:$0x4] =	wrdreg $0xC0  }
0xae: {  	_ =	task [dreg:s10], $0x5FFFF  }
0xaf: {  	[dreg:$0x1] =	wrdreg $0xFFFFFFFF  }
0xb0: {  	[dreg:$0x0] =	wrdreg $0x60  }
0xb1: {  	[dreg:$0x2] =	wrdreg s18  }
0xb2: {  	[dreg:$0x3] =	wrdreg s4  }
0xb3: {  	[dreg:$0x4] =	wrdreg s5  }
0xb4: {  	[dreg:$0x5] =	wrdreg s2  }
0xb5: {  	[dreg:$0x6] =	wrdreg s24  }
0xb6: {  	[dreg:$0x7] =	wrdreg $0x9  }
0xb7: {  	_ =	task.clear_ibuf [dreg:s10], $0x8FFFF;
	_ =	strace $0x90000046  }
0xb8: {  	s29 =	simm.s32 $0x9;
	_ =	strace $0x80000048  }
0xb9: {  	_ =	swait.ge [sflag:s29], $0x1  }
0xba: {  	[sflag:s29] =	ssyncadd.s32 $0xFFFFFFFF  }
0xbb: {  	_ =	strace $0x90000048  }
0xbc: {  	_ =	sfence  }
0xbd: {  	s30 =	sld [smem:$0x0];
	_ =	sdelay $0x2  }
0xbe: {  	s31 =	sshll.u32 s1, $0xD;
	s1 =	sshrl.u32 s1, $0x2  }
0xbf: {  	s3 =	sand.u32 $0x4000, s31;
	s1 =	sadd.s32 s1, s30  }
0xc0: {  	s0 =	sor.u32 s3, s0;
	s1 =	sshll.u32 s1, $0x11  }
0xc1: {  	s0 =	sor.u32 s1, s0  }
0xc2: {  	s0 =	sadd.s32 $0x8F2B, s0  }
0xc3: {  	[sflag:s0] =	ssyncadd.remote.s32 $0x1  }
0xc4: {  	_ =	sfence.sel $0xFFFF  }
0xc5: {  	[dreg:$0x0] =	wrdreg $0xFFFFFFFF;
	(pc) =	sbr.abs _section_cstart, $3  }
0xc6: {  	[dreg:$0x1] =	wrdreg $0xFFFFFFFF  }
0xc7: {  	_ =	task.clear_ibuf [dreg:s10], $0x2FFFF;
	_ =	strace $0x9FFFFFFF  }
0xc8: {  	(tm) =	ssettm $0x7FFFFFFF  }
0xc9: {  	_ =	shalt  }
tec
execute0_lowered:
.L_overlay_start_1:
0x0: {  	(tag) =	ssettag $0x1  }
0x1: {  	s1 =	rddreg [dreg:$0x0]  }
0x2: {  	s2 =	rddreg [dreg:$0x1]  }
0x3: {  	s5 =	rddreg [dreg:$0x2]  }
0x4: {  	s7 =	rddreg [dreg:$0x3]  }
0x5: {  	s3 =	srdreg.scid;
	s0 =	stileid.u32  }
0x6: {  	s21 =	rddreg [dreg:$0x4];
	s20 =	sand.u32 $0x1, s3;
	s6 =	sshll.u32 s0, $0x1  }
0x7: {  	s4 =	simm.s32 $0x0;
	s3 =	rddreg [dreg:$0x5];
	s19 =	sor.u32 s20, s6  }
0x8: {  	[smem:$0x7FF] =	sst s4;
	s22 =	sshll.u32 s19, $0x5  }
0x9: {  	_ =	strace $0x80000047;
	s6 =	sadd.s32 s5, s22;
	s5 =	simm.s32 $0x3  }
0xa: {  	[tilespmem:s4], [sflag:$0x3] =	stream.linear.gather [hbm4b:s6+s4], $0x100, $0x38;
	[tilespmem:$0xC300] =	vst v63  }
0xb: {  	_ =	swait.ge [sflag:s5], $0x100  }
0xc: {  	s23 =	sshll.u32 s19, $0x4;
	[sflag:s5] =	ssyncset.done $0x0  }
0xd: {  	s8 =	simm.s32 $0x100;
	s7 =	sadd.s32 s7, s23;
	[sflag:s5] =	ssyncadd.s32 $0xFFFFFF00  }
0xe: {  	[tilespmem:s8], [sflag:$0x3] =	stream.linear.gather [hbm4b:s7+s4], $0x80, $0x38;
	[tilespmem:$0xC300] =	vst v63  }
0xf: {  	_ =	swait.ge [sflag:s5], $0x80  }
0x10: {  	[sflag:s5] =	ssyncset.done $0x0  }
0x11: {  	s9 =	simm.s32 $0x80;
	s10 =	simm.s32 $0x180;
	[sflag:s5] =	ssyncadd.s32 $0xFFFFFF80  }
0x12: {  	[tilespmem:s10], [sflag:$0x1] =	stream.indirect.gather [hbm4b:s1+s9], $0x80, s4, s9, $0xb8;
	[tilespmem:$0xC300] =	vst v63  }
0x13: {  	s11 =	simm.s32 $0xC180  }
0x14: {  	[tilespmem:s11], [sflag:$0x2] =	stream.indirect.gather [hbm4b:s2+s9], $0x1, s4, s9, $0xb8;
	[tilespmem:$0xC300] =	vst v63  }
0x15: {  	s12 =	simm.s32 $0x4180  }
0x16: {  	[tilespmem:s12], [sflag:$0x1] =	stream.indirect.gather [hbm4b:s1+s9], $0x80, s9, s9, $0xb8;
	[tilespmem:$0xC300] =	vst v63  }
0x17: {  	s13 =	simm.s32 $0xC200  }
0x18: {  	[tilespmem:s13], [sflag:$0x2] =	stream.indirect.gather [hbm4b:s2+s9], $0x1, s9, s9, $0xb8;
	[tilespmem:$0xC300] =	vst v63  }
0x19: {  	s14 =	simm.s32 $0x8180  }
0x1a: {  	[tilespmem:s14], [sflag:$0x1] =	stream.indirect.gather [hbm4b:s1+s9], $0x80, s8, s9, $0xb8;
	[tilespmem:$0xC300] =	vst v63  }
0x1b: {  	s15 =	simm.s32 $0xC280;
	s16 =	simm.s32 $0x1  }
0x1c: {  	[tilespmem:s15], [sflag:$0x2] =	stream.indirect.gather [hbm4b:s2+s9], $0x1, s8, s9, $0xb8;
	[tilespmem:$0xC300] =	vst v63  }
0x1d: {  	_ =	swait.ge [sflag:s16], $0x4000  }
0x1e: {  	[sflag:s16] =	ssyncset.done $0x0  }
0x1f: {  	s17 =	simm.s32 $0x2;
	[sflag:s16] =	ssyncadd.s32 $0xFFFFC000  }
0x20: {  	_ =	swait.ge [sflag:s17], $0x80  }
0x21: {  	[sflag:s17] =	ssyncset.done $0x0  }
0x22: {  	[sflag:s17] =	ssyncadd.s32 $0xFFFFFF80  }
0x23: {  	_ =	swait.ge [sflag:s16], $0x4000  }
0x24: {  	[sflag:s16] =	ssyncset.done $0x0  }
0x25: {  	[sflag:s16] =	ssyncadd.s32 $0xFFFFC000  }
0x26: {  	_ =	swait.ge [sflag:s17], $0x80  }
0x27: {  	[sflag:s17] =	ssyncset.done $0x0  }
0x28: {  	[sflag:s17] =	ssyncadd.s32 $0xFFFFFF80  }
0x29: {  	_ =	swait.ge [sflag:s16], $0x4000  }
0x2a: {  	[sflag:s16] =	ssyncset.done $0x0  }
0x2b: {  	[sflag:s16] =	ssyncadd.s32 $0xFFFFC000  }
0x2c: {  	_ =	swait.ge [sflag:s17], $0x80  }
0x2d: {  	s24 =	sadd.s32 $0x1400, s21;
	s18 =	sshll.u32 s19, $0xC;
	[sflag:s17] =	ssyncset.done $0x0  }
0x2e: {  	s18 =	sadd.s32 s24, s18;
	[sflag:s17] =	ssyncadd.s32 $0xFFFFFF80  }
0x2f: {  	[hbm4b:s18+s4] =	stream.linear.scatter [tilespmem:s10], [sflag:$0x3], $0x8000, $0x38;
	[tilespmem:$0xC300] =	vst v63  }
0x30: {  	s19 =	sshll.u32 s19, $0xB;
	_ =	swait.ge [sflag:s5], $0x8000  }
0x31: {  	s19 =	sadd.s32 s19, s24;
	[sflag:s5] =	ssyncset.done $0x0  }
0x32: {  	s30 =	ssub.s32 $0x2, s20;
	s19 =	sadd.s32 $0x20000, s19;
	[sflag:s5] =	ssyncadd.s32 $0xFFFF8000  }
0x33: {  	[hbm4b:s19+s4] =	stream.linear.scatter [tilespmem:s14], [sflag:$0x3], $0x4000, $0x38;
	[tilespmem:$0xC300] =	vst v63  }
0x34: {  	s31 =	sshrl.u32 s30, $0x1;
	s22 =	sadd.s32 s22, s21;
	_ =	swait.ge [sflag:s5], $0x4000  }
0x35: {  	s20 =	sadd.s32 $0x31400, s22;
	s22 =	ssub.s32 s30, s31;
	[sflag:s5] =	ssyncset.done $0x0  }
0x36: {  	s22 =	smax.u32 s22, $0x1;
	[sflag:s5] =	ssyncadd.s32 $0xFFFFC000  }
0x37: {  	[hbm4b:s20+s4] =	stream.linear.scatter [tilespmem:s11], [sflag:$0x3], $0x100, $0x38;
	[tilespmem:$0xC300] =	vst v63  }
0x38: {  	p0 =	sne.s32 s22, $0x1;
	_ =	swait.ge [sflag:s5], $0x100  }
.Ltmp0:
0x39: {  	s21 =	sadd.s32 s23, s21;
	[sflag:s5] =	ssyncset.done $0x0;
	(pc) =	sbr.rel @!p0 .LBB2_2-.Ltmp0, $4  }
0x3a: {  	s21 =	sadd.s32 $0x31800, s21;
	[sflag:s5] =	ssyncadd.s32 $0xFFFFFF00  }
0x3b: {  	[hbm4b:s21+s4] =	stream.linear.scatter [tilespmem:s15], [sflag:$0x3], $0x80, $0x38;
	[tilespmem:$0xC300] =	vst v63  }
0x3c: {  	_ =	swait.ge [sflag:s5], $0x80  }
0x3d: {  	s22 =	sadd.s32 $0xFFFFFFFF, s22;
	[sflag:s5] =	ssyncset.done $0x0  }
.LBB2_1:
0x3e: {  	p0 =	sne.s32 s22, $0x1;
	s22 =	sadd.s32 $0xFFFFFFFF, s22;
	[sflag:s5] =	ssyncadd.s32 $0xFFFFFF80  }
0x3f: {  	[tilespmem:s4], [sflag:$0x3] =	stream.linear.gather [hbm4b:s6+s4], $0x100, $0x38;
	[tilespmem:$0xC300] =	vst v63  }
0x40: {  	_ =	swait.ge [sflag:s5], $0x100  }
0x41: {  	[sflag:s5] =	ssyncset.done $0x0  }
0x42: {  	[sflag:s5] =	ssyncadd.s32 $0xFFFFFF00  }
0x43: {  	[tilespmem:s8], [sflag:$0x3] =	stream.linear.gather [hbm4b:s7+s4], $0x80, $0x38;
	[tilespmem:$0xC300] =	vst v63  }
0x44: {  	_ =	swait.ge [sflag:s5], $0x80  }
0x45: {  	[sflag:s5] =	ssyncset.done $0x0  }
0x46: {  	[sflag:s5] =	ssyncadd.s32 $0xFFFFFF80  }
0x47: {  	[tilespmem:s10], [sflag:$0x1] =	stream.indirect.gather [hbm4b:s1+s9], $0x80, s4, s9, $0xb8;
	[tilespmem:$0xC300] =	vst v63  }
0x48: {  	_ = 	snop  }
0x49: {  	[tilespmem:s11], [sflag:$0x2] =	stream.indirect.gather [hbm4b:s2+s9], $0x1, s4, s9, $0xb8;
	[tilespmem:$0xC300] =	vst v63  }
0x4a: {  	_ = 	snop  }
0x4b: {  	[tilespmem:s12], [sflag:$0x1] =	stream.indirect.gather [hbm4b:s1+s9], $0x80, s9, s9, $0xb8;
	[tilespmem:$0xC300] =	vst v63  }
0x4c: {  	_ = 	snop  }
0x4d: {  	[tilespmem:s13], [sflag:$0x2] =	stream.indirect.gather [hbm4b:s2+s9], $0x1, s9, s9, $0xb8;
	[tilespmem:$0xC300] =	vst v63  }
0x4e: {  	_ = 	snop  }
0x4f: {  	[tilespmem:s14], [sflag:$0x1] =	stream.indirect.gather [hbm4b:s1+s9], $0x80, s8, s9, $0xb8;
	[tilespmem:$0xC300] =	vst v63  }
0x50: {  	_ = 	snop  }
0x51: {  	[tilespmem:s15], [sflag:$0x2] =	stream.indirect.gather [hbm4b:s2+s9], $0x1, s8, s9, $0xb8;
	[tilespmem:$0xC300] =	vst v63  }
0x52: {  	_ =	swait.ge [sflag:s16], $0x4000  }
0x53: {  	[sflag:s16] =	ssyncset.done $0x0  }
0x54: {  	[sflag:s16] =	ssyncadd.s32 $0xFFFFC000  }
0x55: {  	_ =	swait.ge [sflag:s17], $0x80  }
0x56: {  	[sflag:s17] =	ssyncset.done $0x0  }
0x57: {  	[sflag:s17] =	ssyncadd.s32 $0xFFFFFF80  }
0x58: {  	_ =	swait.ge [sflag:s16], $0x4000  }
0x59: {  	[sflag:s16] =	ssyncset.done $0x0  }
0x5a: {  	[sflag:s16] =	ssyncadd.s32 $0xFFFFC000  }
0x5b: {  	_ =	swait.ge [sflag:s17], $0x80  }
0x5c: {  	[sflag:s17] =	ssyncset.done $0x0  }
0x5d: {  	[sflag:s17] =	ssyncadd.s32 $0xFFFFFF80  }
0x5e: {  	_ =	swait.ge [sflag:s16], $0x4000  }
0x5f: {  	[sflag:s16] =	ssyncset.done $0x0  }
0x60: {  	[sflag:s16] =	ssyncadd.s32 $0xFFFFC000  }
0x61: {  	_ =	swait.ge [sflag:s17], $0x80  }
0x62: {  	[sflag:s17] =	ssyncset.done $0x0  }
0x63: {  	[sflag:s17] =	ssyncadd.s32 $0xFFFFFF80  }
0x64: {  	[hbm4b:s18+s4] =	stream.linear.scatter [tilespmem:s10], [sflag:$0x3], $0x8000, $0x38;
	[tilespmem:$0xC300] =	vst v63  }
0x65: {  	_ =	swait.ge [sflag:s5], $0x8000  }
0x66: {  	[sflag:s5] =	ssyncset.done $0x0  }
0x67: {  	[sflag:s5] =	ssyncadd.s32 $0xFFFF8000  }
0x68: {  	[hbm4b:s19+s4] =	stream.linear.scatter [tilespmem:s14], [sflag:$0x3], $0x4000, $0x38;
	[tilespmem:$0xC300] =	vst v63  }
0x69: {  	_ =	swait.ge [sflag:s5], $0x4000  }
0x6a: {  	[sflag:s5] =	ssyncset.done $0x0  }
0x6b: {  	[sflag:s5] =	ssyncadd.s32 $0xFFFFC000  }
0x6c: {  	[hbm4b:s20+s4] =	stream.linear.scatter [tilespmem:s11], [sflag:$0x3], $0x100, $0x38;
	[tilespmem:$0xC300] =	vst v63  }
0x6d: {  	_ =	swait.ge [sflag:s5], $0x100  }
.Ltmp1:
0x6e: {  	[sflag:s5] =	ssyncset.done $0x0;
	(pc) =	sbr.rel @p0 .LBB2_1-.Ltmp1, $4  }
0x6f: {  	[sflag:s5] =	ssyncadd.s32 $0xFFFFFF00  }
0x70: {  	[hbm4b:s21+s4] =	stream.linear.scatter [tilespmem:s15], [sflag:$0x3], $0x80, $0x38;
	[tilespmem:$0xC300] =	vst v63  }
0x71: {  	_ =	swait.ge [sflag:s5], $0x80  }
0x72: {  	[sflag:s5] =	ssyncset.done $0x0  }
.LBB2_2:
0x73: {  	[sflag:s5] =	ssyncadd.s32 $0xFFFFFF80  }
0x74: {  	_ =	sfence.sel $0x180000  }
0x75: {  	[bflag:$0x0] =	sbarrier.arrive $0xFFFF  }
0x76: {  	p0 =	sne.s32 s0, $0x0;
	_ =	strace $0x90000047  }
0x77: {  	s0 =	sadd.s32 @!p0 $0x100000, s3;
	[bflag:$0x2] =	sbarrier.arrive $0xFFFF  }
0x78: {  	[sflag:s0] =	ssyncadd.tile.s32 @!p0 $0x1;
	_ =	shalt  }
.Lfunc_end2:
_tile_overlayer_lowered:
.L_overlay_start_2:
0x79: {  	(tag) =	ssettag $0x2  }
0x7a: {  	s0 =	rddreg [dreg:$0x0];
	s2 =	stileid.u32  }
0x7b: {  	s1 =	rddreg [dreg:$0x1];
	p0 =	sne.s32 s2, $0x0  }
0x7c: {  	s3 =	rddreg [dreg:$0x2];
	[bflag:$0x3] =	sbarrier.arrive $0xFFFF;
	s2 =	simm.s32 @!p0 $0x1C03  }
0x7d: {  	[timem:s3], [sflag:s2] =	dma.local @!p0 [hbm:s0], s1  }
0x7e: {  	s0 =	simm.s32 @!p0 $0x3  }
0x7f: {  	_ =	swait.ge @!p0 [sflag:s0], s1  }
0x80: {  	s1 =	ssub.s32 @!p0 $0x0, s1;
	[sflag:s0] =	ssyncset.done @!p0 $0x0  }
0x81: {  	[sflag:s0] =	ssyncadd.s32 @!p0 s1  }
0x82: {  	[bflag:$0x3] =	sbarrier.arrive $0xFFFF  }
0x83: {  	_ =	shalt  }

</sc_bundles>
